<compile_context>
chip_gen: v7x
topology: tpu7x:2x2x1
jax: 0.10.2.dev20260603
libtpu: 0.0.44.dev20260713+nightly
codegen_flags: <defaults>
</compile_context>

<pallas_src>
import functools

import jax
import jax.numpy as jnp
from jax import lax
from jax.experimental import pallas as pl
from jax.experimental.pallas import tpu as pltpu
from jax.experimental.pallas import tpu_sc as plsc

N_NODES = 10000
N_EDGES = 320000
DIM = 128
HDIM = 64

N_SLICES = 1
E_SLICE = N_EDGES // N_SLICES

NC, NS = 2, 16
NW = NC * NS
B_SLICE = 2 * E_SLICE
B_PER_W = B_SLICE // NW
CHUNK = 80
N_CHUNKS = B_PER_W // CHUNK
STAGE_ROWS = 1000


def _round_bf16_bits(u):
    return (u + 0x7FFF + ((u >> 16) & 1)) & jnp.uint32(0xFFFF0000)


def _pack_cols(t):
    lo = lax.bitcast_convert_type(t[:, :HDIM], jnp.uint32)
    hi = lax.bitcast_convert_type(t[:, HDIM:], jnp.uint32)
    return (_round_bf16_bits(lo) >> 16) | _round_bf16_bits(hi)


def _table_kernel(x_ref, w_ref, b_ref, t_ref):
    x = x_ref[...]
    ts = jnp.dot(x, w_ref[0], preferred_element_type=jnp.float32) + b_ref[0]
    te = jnp.dot(x, w_ref[1], preferred_element_type=jnp.float32)
    t_ref[...] = jnp.concatenate([_pack_cols(ts), _pack_cols(te)], axis=1)


def _build_table(x, W1, b1):
    wr = W1.reshape(2, DIM, DIM)
    blk = 1000
    return pl.pallas_call(
        _table_kernel,
        grid=(N_NODES // blk,),
        in_specs=[
            pl.BlockSpec((blk, DIM), lambda i: (i, 0)),
            pl.BlockSpec((2, DIM, DIM), lambda i: (0, 0, 0)),
            pl.BlockSpec((1, DIM), lambda i: (0, 0)),
        ],
        out_specs=pl.BlockSpec((blk, DIM), lambda i: (i, 0)),
        out_shape=jax.ShapeDtypeStruct((N_NODES, DIM), jnp.uint32),
    )(x, wr, b1.reshape(1, DIM))


def _sc_gather(table, idx3):
    mesh = plsc.VectorSubcoreMesh(
        core_axis_name="c", subcore_axis_name="s", num_cores=NC, num_subcores=NS
    )

    @functools.partial(
        pl.kernel,
        out_type=jax.ShapeDtypeStruct((B_SLICE, DIM), jnp.uint32),
        mesh=mesh,
        scratch_types=[
            pltpu.VMEM((B_PER_W,), jnp.int32),
            pltpu.VMEM((2, CHUNK, DIM), jnp.uint32),
            pltpu.VMEM_SHARED((N_NODES, DIM), jnp.uint32),
            pltpu.SemaphoreType.DMA,
            pltpu.SemaphoreType.DMA,
            pltpu.SemaphoreType.DMA,
            pltpu.SemaphoreType.DMA,
            pltpu.SemaphoreType.DMA,
        ],
    )
    def k(t_hbm, i_hbm, o_hbm, idx_v, rows_v, t_sp, isem, gsem0, gsem1,
          osem0, osem1):
        cid = lax.axis_index("c")
        sid = lax.axis_index("s")
        wid = sid * NC + cid
        base = wid * B_PER_W
        gsems = (gsem0, gsem1)
        osems = (osem0, osem1)

        @pl.when(sid < N_NODES // STAGE_ROWS)
        def _():
            pltpu.sync_copy(
                t_hbm.at[pl.ds(sid * STAGE_ROWS, STAGE_ROWS)],
                t_sp.at[pl.ds(sid * STAGE_ROWS, STAGE_ROWS)],
            )

        plsc.subcore_barrier()

        pltpu.async_copy(i_hbm.at[pl.ds(base, B_PER_W)], idx_v, isem).wait()

        def gather_copy(ci, b):
            return pltpu.make_async_copy(
                t_sp.at[idx_v.at[pl.ds(ci * CHUNK, CHUNK)]], rows_v.at[b],
                gsems[b],
            )

        def out_copy(ci, b):
            return pltpu.make_async_copy(
                rows_v.at[b],
                o_hbm.at[pl.ds(base + ci * CHUNK, CHUNK)],
                osems[b],
            )

        gather_copy(0, 0).start()
        n_paired = N_CHUNKS - (N_CHUNKS % 2)

        @pl.loop(0, n_paired, step=2)
        def _(i0):
            gather_copy(i0, 0).wait()
            out_copy(i0, 0).start()

            @pl.when(i0 > 0)
            def _():
                out_copy(i0 - 1, 1).wait()

            gather_copy(i0 + 1, 1).start()

            gather_copy(i0 + 1, 1).wait()
            out_copy(i0 + 1, 1).start()

            @pl.when(i0 + 2 < N_CHUNKS)
            def _():
                out_copy(i0, 0).wait()
                gather_copy(i0 + 2, 0).start()

        if N_CHUNKS % 2:
            gather_copy(N_CHUNKS - 1, 0).wait()
            out_copy(N_CHUNKS - 1, 0).start()
            out_copy(N_CHUNKS - 2, 1).wait()
            out_copy(N_CHUNKS - 1, 0).wait()
        else:
            out_copy(N_CHUNKS - 2, 0).wait()
            out_copy(N_CHUNKS - 1, 1).wait()

    return k(table, idx3)


def _unpack(u):
    lo = lax.bitcast_convert_type(u << 16, jnp.float32)
    hi = lax.bitcast_convert_type(u & jnp.uint32(0xFFFF0000), jnp.float32)
    return lo, hi


def _mlp_kernel(a_ref, b_ref, w_ref, bias_ref, *rest):
    o_ref = rest[-1]
    a_lo, a_hi = _unpack(a_ref[0][:, :HDIM])
    b_lo, b_hi = _unpack(b_ref[0][:, HDIM:])
    h = jnp.concatenate([a_lo + b_lo, a_hi + b_hi], axis=1)
    h = jnp.maximum(h, 0.0).astype(jnp.bfloat16)
    w = w_ref[...].astype(jnp.bfloat16)
    o_ref[...] = (
        jnp.dot(h, w, preferred_element_type=jnp.float32) + bias_ref[...]
    )


_MLP_BLK = 8000
_BLKS_PER_SLICE = E_SLICE // _MLP_BLK


def _mlp_out(g3, W2, b2, prev, s):
    off = s * _BLKS_PER_SLICE
    in_specs = [
        pl.BlockSpec((1, _MLP_BLK, DIM), lambda i: (0, i, 0)),
        pl.BlockSpec((1, _MLP_BLK, DIM), lambda i: (1, i, 0)),
        pl.BlockSpec((DIM, DIM), lambda i: (0, 0)),
        pl.BlockSpec((1, DIM), lambda i: (0, 0)),
    ]
    args = [g3, g3, W2, b2.reshape(1, DIM)]
    aliases = {}
    if prev is not None:
        in_specs.append(pl.BlockSpec(memory_space=pl.ANY))
        args.append(prev)
        aliases = {4: 0}
    return pl.pallas_call(
        _mlp_kernel,
        grid=(_BLKS_PER_SLICE,),
        in_specs=in_specs,
        out_specs=pl.BlockSpec((_MLP_BLK, DIM), lambda i: (i + off, 0)),
        out_shape=jax.ShapeDtypeStruct((N_EDGES, DIM), jnp.float32),
        input_output_aliases=aliases,
    )(*args)


def kernel(x, edge_index, W1, b1, W2, b2):
    x2 = x.reshape(-1, x.shape[-1])
    ei = edge_index.reshape(2, -1).astype(jnp.int32)
    table = _build_table(x2, W1, b1)
    out = None
    for s in range(N_SLICES):
        idx = lax.slice(ei, (0, s * E_SLICE), (2, (s + 1) * E_SLICE))
        g = _sc_gather(table, idx.reshape(B_SLICE))
        out = _mlp_out(g.reshape(2, E_SLICE, DIM), W2, b2, out, s)
    return out.reshape(1, N_EDGES, DIM)

# --- scband reference (transcript-rebuilt; emitter-appended) ---
"""Pipeline reference for scband-edge-network-66692252172957 (READ-ONLY COPY).

The authoritative reference and input builder live on the scoring server;
editing this copy changes nothing except your own understanding.
"""

import jax, jax.numpy as jnp
import numpy as np

IN_DIM = 128
HIDDEN_DIM = 128
OUT_DIM = 128
N_NODES = 10000
N_EDGES = 320000


def setup_inputs(seed: int = 0) -> dict:
    key = jax.random.key(seed)
    k_x, k_e, k_w1, k_b1, k_w2, k_b2 = jax.random.split(key, 6)
    x = jax.random.normal(k_x, (N_NODES, IN_DIM), dtype=jnp.float32)
    edge_index = jax.random.randint(k_e, (2, N_EDGES), 0, N_NODES, dtype=jnp.int64)
    # Linear layer params (stored as [in, out]; y = x @ W + b, math-equivalent to torch Linear)
    lim1 = 1.0 / np.sqrt(2 * IN_DIM)
    W1 = jax.random.uniform(k_w1, (2 * IN_DIM, HIDDEN_DIM), minval=-lim1, maxval=lim1, dtype=jnp.float32)
    b1 = jax.random.uniform(k_b1, (HIDDEN_DIM,), minval=-lim1, maxval=lim1, dtype=jnp.float32)
    lim2 = 1.0 / np.sqrt(HIDDEN_DIM)
    W2 = jax.random.uniform(k_w2, (HIDDEN_DIM, OUT_DIM), minval=-lim2, maxval=lim2, dtype=jnp.float32)
    b2 = jax.random.uniform(k_b2, (OUT_DIM,), minval=-lim2, maxval=lim2, dtype=jnp.float32)
    return {"x": x, "edge_index": edge_index, "W1": W1, "b1": b1, "W2": W2, "b2": b2}


def reference(x, edge_index, W1, b1, W2, b2):
    x2 = x.reshape(-1, x.shape[-1])
    ei = edge_index.reshape(2, -1)
    start = ei[0]
    end = ei[1]
    # gather node features at edge endpoints (SparseCore gather)
    edge_features = jnp.concatenate([jnp.take(x2, start, axis=0), jnp.take(x2, end, axis=0)], axis=1)
    h = jnp.maximum(edge_features @ W1 + b1, 0.0)
    out = h @ W2 + b2
    out = out.reshape(-1, ei.shape[1], out.shape[-1])
    return out

if __name__ == "__main__":
    import jax
    _d = setup_inputs()
    print(jax.jit(kernel)(*tuple(_d.values())))

</pallas_src>

<mosaic_0001>
#map = affine_map<(d0, d1) -> (0, 0)>
#map1 = affine_map<(d0, d1) -> (0)>
module attributes {stable_mosaic.version = 14 : i64} {
  func.func @k(%arg0: i32, %arg1: i32, %arg2: memref<10000x128xi32, #tpu.memory_space<hbm>>, %arg3: memref<640000xi32, #tpu.memory_space<hbm>>, %arg4: memref<640000x128xi32, #tpu.memory_space<hbm>>, %arg5: memref<20000xi32, #tpu.memory_space<vmem>>, %arg6: memref<2x80x128xi32, #tpu.memory_space<vmem>>, %arg7: memref<10000x128xi32, #tpu.memory_space<vmem_shared>>, %arg8: memref<!tpu.dma_semaphore, #tpu.memory_space<semaphore_mem>>, %arg9: memref<!tpu.dma_semaphore, #tpu.memory_space<semaphore_mem>>, %arg10: memref<!tpu.dma_semaphore, #tpu.memory_space<semaphore_mem>>, %arg11: memref<!tpu.dma_semaphore, #tpu.memory_space<semaphore_mem>>, %arg12: memref<!tpu.dma_semaphore, #tpu.memory_space<semaphore_mem>>) attributes {dimension_semantics = [#tpu.dimension_semantics<core_parallel>, #tpu.dimension_semantics<subcore_parallel>], iteration_bounds = array<i64: 2, 16>, scalar_prefetch = 0 : i64, scratch_operands = 8 : i64, tpu.core_type = #tpu.core_type<sc_vector_subcore>, window_params = [{transform_indices = #map}, {transform_indices = #map1}, {transform_indices = #map}]} {
    %mul3A = arith.constant 2 : i32
    %mul3A_0 = arith.muli %arg1, %mul3A : i32
    %add3A = arith.addi %mul3A_0, %arg0 : i32
    %mul3A_1 = arith.constant 20000 : i32
    %mul3A_2 = arith.muli %add3A, %mul3A_1 : i32
    %lt3A = arith.constant 10 : i32
    %lt3A_3 = arith.cmpi slt, %arg1, %lt3A : i32
    %convert_element_type3A = arith.extui %lt3A_3 : i1 to i32
    %cond3A = arith.constant 0 : i32
    %cond3A_4 = arith.cmpi ne, %convert_element_type3A, %cond3A : i32
    scf.if %cond3A_4 {
      %mul3A_51 = arith.constant 1000 : i32
      %mul3A_52 = arith.muli %arg1, %mul3A_51 : i32
      %mul3A_53 = arith.constant 1000 : i32
      %mul3A_54 = arith.muli %arg1, %mul3A_53 : i32
      "tpu.region"() ({
        %run_scoped3A = tpu.sem_alloc : memref<!tpu.dma_semaphore, #tpu.memory_space<semaphore_mem>>
        %dma_start3A_55 = arith.constant 0 : i32
        %dma_start3A_56 = tpu.memref_slice %arg7[%mul3A_54, %dma_start3A_55] : memref<10000x128xi32, #tpu.memory_space<vmem_shared>> -> memref<1000x128xi32, #tpu.memory_space<vmem_shared>>
        %dma_start3A_57 = arith.constant 0 : i32
        %dma_start3A_58 = tpu.memref_slice %arg2[%mul3A_52, %dma_start3A_57] : memref<10000x128xi32, #tpu.memory_space<hbm>> -> memref<1000x128xi32, #tpu.memory_space<hbm>>
        tpu.enqueue_dma source(%dma_start3A_58 : memref<1000x128xi32, #tpu.memory_space<hbm>>) target(%dma_start3A_56 : memref<1000x128xi32, #tpu.memory_space<vmem_shared>>) target_semaphore(%run_scoped3A : memref<!tpu.dma_semaphore, #tpu.memory_space<semaphore_mem>>)
        %dma_wait3A_59 = arith.constant 0 : i32
        %dma_wait3A_60 = tpu.memref_slice %arg7[%mul3A_54, %dma_wait3A_59] : memref<10000x128xi32, #tpu.memory_space<vmem_shared>> -> memref<1000x128xi32, #tpu.memory_space<vmem_shared>>
        %dma_wait3A_61 = arith.constant 0 : i32
        %dma_wait3A_62 = tpu.memref_slice %arg2[%mul3A_52, %dma_wait3A_61] : memref<10000x128xi32, #tpu.memory_space<hbm>> -> memref<1000x128xi32, #tpu.memory_space<hbm>>
        tpu.wait_dma2 semaphore(%run_scoped3A : memref<!tpu.dma_semaphore, #tpu.memory_space<semaphore_mem>>) src(%dma_wait3A_62 : memref<1000x128xi32, #tpu.memory_space<hbm>>) dst(%dma_wait3A_60 : memref<1000x128xi32, #tpu.memory_space<vmem_shared>>)
        tpu.yield
      }) : () -> ()
    } else {
    }
    %barrier3A = arith.constant 0 : index
    tpu.barrier barrier_id(%barrier3A)
    %dma_start3A = tpu.memref_slice %arg3[%mul3A_2] : memref<640000xi32, #tpu.memory_space<hbm>> -> memref<20000xi32, #tpu.memory_space<hbm>>
    %dma_start3A_5 = tpu.memref_slice %arg3[%mul3A_2] : memref<640000xi32, #tpu.memory_space<hbm>> -> memref<20000xi32, #tpu.memory_space<hbm>>
    tpu.enqueue_dma source(%dma_start3A_5 : memref<20000xi32, #tpu.memory_space<hbm>>) target(%arg5 : memref<20000xi32, #tpu.memory_space<vmem>>) target_semaphore(%arg8 : memref<!tpu.dma_semaphore, #tpu.memory_space<semaphore_mem>>)
    %dma_wait3A = tpu.memref_slice %arg3[%mul3A_2] : memref<640000xi32, #tpu.memory_space<hbm>> -> memref<20000xi32, #tpu.memory_space<hbm>>
    %dma_wait3A_6 = tpu.memref_slice %arg3[%mul3A_2] : memref<640000xi32, #tpu.memory_space<hbm>> -> memref<20000xi32, #tpu.memory_space<hbm>>
    tpu.wait_dma2 semaphore(%arg8 : memref<!tpu.dma_semaphore, #tpu.memory_space<semaphore_mem>>) src(%dma_wait3A_6 : memref<20000xi32, #tpu.memory_space<hbm>>) dst(%arg5 : memref<20000xi32, #tpu.memory_space<vmem>>)
    %dma_start3A_7 = arith.constant 0 : i32
    %dma_start3A_8 = arith.constant 0 : i32
    %dma_start3A_9 = arith.constant 0 : i32
    %dma_start3A_10 = tpu.memref_slice %arg6[%dma_start3A_7, %dma_start3A_8, %dma_start3A_9] : memref<2x80x128xi32, #tpu.memory_space<vmem>> -> memref<1x80x128xi32, #tpu.memory_space<vmem>>
    %dma_start3A_11 = tpu.memref_squeeze %dma_start3A_10 : memref<1x80x128xi32, #tpu.memory_space<vmem>> -> memref<80x128xi32, #tpu.memory_space<vmem>>
    %dma_start3A_12 = arith.constant 0 : i32
    %dma_start3A_13 = tpu.memref_slice %arg5[%dma_start3A_12] : memref<20000xi32, #tpu.memory_space<vmem>> -> memref<80xi32, #tpu.memory_space<vmem>>
    %dma_start3A_14 = arith.constant 0 : i32
    %dma_start3A_15 = arith.constant 0 : i32
    %dma_start3A_16 = tpu.memref_slice %arg7[%dma_start3A_14, %dma_start3A_15] : memref<10000x128xi32, #tpu.memory_space<vmem_shared>> -> memref<10000x128xi32, #tpu.memory_space<vmem_shared>>
    tpu.enqueue_indirect_dma source(%dma_start3A_16 : memref<10000x128xi32, #tpu.memory_space<vmem_shared>>) target(%dma_start3A_11 : memref<80x128xi32, #tpu.memory_space<vmem>>) offsets(%dma_start3A_13 : memref<80xi32, #tpu.memory_space<vmem>>) semaphore(%arg9 : memref<!tpu.dma_semaphore, #tpu.memory_space<semaphore_mem>>)
    %scan3A = arith.constant 0 : i32
    %scan3A_17 = arith.constant 125 : i32
    %scan3A_18 = arith.addi %scan3A, %scan3A_17 : i32
    %scan3A_19 = arith.constant 1 : i32
    scf.for %scan3A_51 = %scan3A to %scan3A_18 step %scan3A_19  : i32 {
      %mul3A_52 = arith.constant 2 : i32
      %mul3A_53 = arith.muli %scan3A_51, %mul3A_52 : i32
      %add3A_54 = arith.constant 0 : i32
      %add3A_55 = arith.addi %add3A_54, %mul3A_53 : i32
      %mul3A_56 = arith.constant 80 : i32
      %mul3A_57 = arith.muli %add3A_55, %mul3A_56 : i32
      %dma_wait3A_58 = arith.constant 0 : i32
      %dma_wait3A_59 = arith.constant 0 : i32
      %dma_wait3A_60 = arith.constant 0 : i32
      %dma_wait3A_61 = tpu.memref_slice %arg6[%dma_wait3A_58, %dma_wait3A_59, %dma_wait3A_60] : memref<2x80x128xi32, #tpu.memory_space<vmem>> -> memref<1x80x128xi32, #tpu.memory_space<vmem>>
      %dma_wait3A_62 = tpu.memref_squeeze %dma_wait3A_61 : memref<1x80x128xi32, #tpu.memory_space<vmem>> -> memref<80x128xi32, #tpu.memory_space<vmem>>
      %dma_wait3A_63 = tpu.memref_slice %arg5[%mul3A_57] : memref<20000xi32, #tpu.memory_space<vmem>> -> memref<80xi32, #tpu.memory_space<vmem>>
      %dma_wait3A_64 = arith.constant 0 : i32
      %dma_wait3A_65 = arith.constant 0 : i32
      %dma_wait3A_66 = tpu.memref_slice %arg7[%dma_wait3A_64, %dma_wait3A_65] : memref<10000x128xi32, #tpu.memory_space<vmem_shared>> -> memref<10000x128xi32, #tpu.memory_space<vmem_shared>>
      tpu.wait_indirect_dma semaphore(%arg9 : memref<!tpu.dma_semaphore, #tpu.memory_space<semaphore_mem>>) src(%dma_wait3A_66 : memref<10000x128xi32, #tpu.memory_space<vmem_shared>>) dst(%dma_wait3A_62 : memref<80x128xi32, #tpu.memory_space<vmem>>)
      %mul3A_67 = arith.constant 80 : i32
      %mul3A_68 = arith.muli %add3A_55, %mul3A_67 : i32
      %add3A_69 = arith.addi %mul3A_2, %mul3A_68 : i32
      %dma_start3A_70 = arith.constant 0 : i32
      %dma_start3A_71 = arith.constant 0 : i32
      %dma_start3A_72 = arith.constant 0 : i32
      %dma_start3A_73 = tpu.memref_slice %arg6[%dma_start3A_70, %dma_start3A_71, %dma_start3A_72] : memref<2x80x128xi32, #tpu.memory_space<vmem>> -> memref<1x80x128xi32, #tpu.memory_space<vmem>>
      %dma_start3A_74 = tpu.memref_squeeze %dma_start3A_73 : memref<1x80x128xi32, #tpu.memory_space<vmem>> -> memref<80x128xi32, #tpu.memory_space<vmem>>
      %dma_start3A_75 = arith.constant 0 : i32
      %dma_start3A_76 = tpu.memref_slice %arg4[%add3A_69, %dma_start3A_75] : memref<640000x128xi32, #tpu.memory_space<hbm>> -> memref<80x128xi32, #tpu.memory_space<hbm>>
      %dma_start3A_77 = arith.constant 0 : i32
      %dma_start3A_78 = tpu.memref_slice %arg4[%add3A_69, %dma_start3A_77] : memref<640000x128xi32, #tpu.memory_space<hbm>> -> memref<80x128xi32, #tpu.memory_space<hbm>>
      %dma_start3A_79 = arith.constant 0 : i32
      %dma_start3A_80 = arith.constant 0 : i32
      %dma_start3A_81 = tpu.memref_slice %arg6[%dma_start3A_70, %dma_start3A_79, %dma_start3A_80] : memref<2x80x128xi32, #tpu.memory_space<vmem>> -> memref<1x80x128xi32, #tpu.memory_space<vmem>>
      %dma_start3A_82 = tpu.memref_squeeze %dma_start3A_81 : memref<1x80x128xi32, #tpu.memory_space<vmem>> -> memref<80x128xi32, #tpu.memory_space<vmem>>
      tpu.enqueue_dma source(%dma_start3A_82 : memref<80x128xi32, #tpu.memory_space<vmem>>) target(%dma_start3A_78 : memref<80x128xi32, #tpu.memory_space<hbm>>) target_semaphore(%arg11 : memref<!tpu.dma_semaphore, #tpu.memory_space<semaphore_mem>>)
      %gt3A = arith.constant 0 : i32
      %gt3A_83 = arith.cmpi sgt, %add3A_55, %gt3A : i32
      %convert_element_type3A_84 = arith.extui %gt3A_83 : i1 to i32
      %cond3A_85 = arith.constant 0 : i32
      %cond3A_86 = arith.cmpi ne, %convert_element_type3A_84, %cond3A_85 : i32
      scf.if %cond3A_86 {
        %sub3A = arith.constant 1 : i32
        %sub3A_138 = arith.subi %add3A_55, %sub3A : i32
        %mul3A_139 = arith.constant 80 : i32
        %mul3A_140 = arith.muli %sub3A_138, %mul3A_139 : i32
        %add3A_141 = arith.addi %mul3A_2, %mul3A_140 : i32
        %dma_wait3A_142 = arith.constant 1 : i32
        %dma_wait3A_143 = arith.constant 0 : i32
        %dma_wait3A_144 = arith.constant 0 : i32
        %dma_wait3A_145 = tpu.memref_slice %arg6[%dma_wait3A_142, %dma_wait3A_143, %dma_wait3A_144] : memref<2x80x128xi32, #tpu.memory_space<vmem>> -> memref<1x80x128xi32, #tpu.memory_space<vmem>>
        %dma_wait3A_146 = tpu.memref_squeeze %dma_wait3A_145 : memref<1x80x128xi32, #tpu.memory_space<vmem>> -> memref<80x128xi32, #tpu.memory_space<vmem>>
        %dma_wait3A_147 = arith.constant 0 : i32
        %dma_wait3A_148 = tpu.memref_slice %arg4[%add3A_141, %dma_wait3A_147] : memref<640000x128xi32, #tpu.memory_space<hbm>> -> memref<80x128xi32, #tpu.memory_space<hbm>>
        %dma_wait3A_149 = arith.constant 0 : i32
        %dma_wait3A_150 = tpu.memref_slice %arg4[%add3A_141, %dma_wait3A_149] : memref<640000x128xi32, #tpu.memory_space<hbm>> -> memref<80x128xi32, #tpu.memory_space<hbm>>
        %dma_wait3A_151 = arith.constant 0 : i32
        %dma_wait3A_152 = arith.constant 0 : i32
        %dma_wait3A_153 = tpu.memref_slice %arg6[%dma_wait3A_142, %dma_wait3A_151, %dma_wait3A_152] : memref<2x80x128xi32, #tpu.memory_space<vmem>> -> memref<1x80x128xi32, #tpu.memory_space<vmem>>
        %dma_wait3A_154 = tpu.memref_squeeze %dma_wait3A_153 : memref<1x80x128xi32, #tpu.memory_space<vmem>> -> memref<80x128xi32, #tpu.memory_space<vmem>>
        tpu.wait_dma2 semaphore(%arg12 : memref<!tpu.dma_semaphore, #tpu.memory_space<semaphore_mem>>) src(%dma_wait3A_154 : memref<80x128xi32, #tpu.memory_space<vmem>>) dst(%dma_wait3A_150 : memref<80x128xi32, #tpu.memory_space<hbm>>)
      } else {
      }
      %add3A_87 = arith.constant 1 : i32
      %add3A_88 = arith.addi %add3A_55, %add3A_87 : i32
      %mul3A_89 = arith.constant 80 : i32
      %mul3A_90 = arith.muli %add3A_88, %mul3A_89 : i32
      %dma_start3A_91 = arith.constant 1 : i32
      %dma_start3A_92 = arith.constant 0 : i32
      %dma_start3A_93 = arith.constant 0 : i32
      %dma_start3A_94 = tpu.memref_slice %arg6[%dma_start3A_91, %dma_start3A_92, %dma_start3A_93] : memref<2x80x128xi32, #tpu.memory_space<vmem>> -> memref<1x80x128xi32, #tpu.memory_space<vmem>>
      %dma_start3A_95 = tpu.memref_squeeze %dma_start3A_94 : memref<1x80x128xi32, #tpu.memory_space<vmem>> -> memref<80x128xi32, #tpu.memory_space<vmem>>
      %dma_start3A_96 = tpu.memref_slice %arg5[%mul3A_90] : memref<20000xi32, #tpu.memory_space<vmem>> -> memref<80xi32, #tpu.memory_space<vmem>>
      %dma_start3A_97 = arith.constant 0 : i32
      %dma_start3A_98 = arith.constant 0 : i32
      %dma_start3A_99 = tpu.memref_slice %arg7[%dma_start3A_97, %dma_start3A_98] : memref<10000x128xi32, #tpu.memory_space<vmem_shared>> -> memref<10000x128xi32, #tpu.memory_space<vmem_shared>>
      tpu.enqueue_indirect_dma source(%dma_start3A_99 : memref<10000x128xi32, #tpu.memory_space<vmem_shared>>) target(%dma_start3A_95 : memref<80x128xi32, #tpu.memory_space<vmem>>) offsets(%dma_start3A_96 : memref<80xi32, #tpu.memory_space<vmem>>) semaphore(%arg10 : memref<!tpu.dma_semaphore, #tpu.memory_space<semaphore_mem>>)
      %add3A_100 = arith.constant 1 : i32
      %add3A_101 = arith.addi %add3A_55, %add3A_100 : i32
      %mul3A_102 = arith.constant 80 : i32
      %mul3A_103 = arith.muli %add3A_101, %mul3A_102 : i32
      %dma_wait3A_104 = arith.constant 1 : i32
      %dma_wait3A_105 = arith.constant 0 : i32
      %dma_wait3A_106 = arith.constant 0 : i32
      %dma_wait3A_107 = tpu.memref_slice %arg6[%dma_wait3A_104, %dma_wait3A_105, %dma_wait3A_106] : memref<2x80x128xi32, #tpu.memory_space<vmem>> -> memref<1x80x128xi32, #tpu.memory_space<vmem>>
      %dma_wait3A_108 = tpu.memref_squeeze %dma_wait3A_107 : memref<1x80x128xi32, #tpu.memory_space<vmem>> -> memref<80x128xi32, #tpu.memory_space<vmem>>
      %dma_wait3A_109 = tpu.memref_slice %arg5[%mul3A_103] : memref<20000xi32, #tpu.memory_space<vmem>> -> memref<80xi32, #tpu.memory_space<vmem>>
      %dma_wait3A_110 = arith.constant 0 : i32
      %dma_wait3A_111 = arith.constant 0 : i32
      %dma_wait3A_112 = tpu.memref_slice %arg7[%dma_wait3A_110, %dma_wait3A_111] : memref<10000x128xi32, #tpu.memory_space<vmem_shared>> -> memref<10000x128xi32, #tpu.memory_space<vmem_shared>>
      tpu.wait_indirect_dma semaphore(%arg10 : memref<!tpu.dma_semaphore, #tpu.memory_space<semaphore_mem>>) src(%dma_wait3A_112 : memref<10000x128xi32, #tpu.memory_space<vmem_shared>>) dst(%dma_wait3A_108 : memref<80x128xi32, #tpu.memory_space<vmem>>)
      %add3A_113 = arith.constant 1 : i32
      %add3A_114 = arith.addi %add3A_55, %add3A_113 : i32
      %mul3A_115 = arith.constant 80 : i32
      %mul3A_116 = arith.muli %add3A_114, %mul3A_115 : i32
      %add3A_117 = arith.addi %mul3A_2, %mul3A_116 : i32
      %dma_start3A_118 = arith.constant 1 : i32
      %dma_start3A_119 = arith.constant 0 : i32
      %dma_start3A_120 = arith.constant 0 : i32
      %dma_start3A_121 = tpu.memref_slice %arg6[%dma_start3A_118, %dma_start3A_119, %dma_start3A_120] : memref<2x80x128xi32, #tpu.memory_space<vmem>> -> memref<1x80x128xi32, #tpu.memory_space<vmem>>
      %dma_start3A_122 = tpu.memref_squeeze %dma_start3A_121 : memref<1x80x128xi32, #tpu.memory_space<vmem>> -> memref<80x128xi32, #tpu.memory_space<vmem>>
      %dma_start3A_123 = arith.constant 0 : i32
      %dma_start3A_124 = tpu.memref_slice %arg4[%add3A_117, %dma_start3A_123] : memref<640000x128xi32, #tpu.memory_space<hbm>> -> memref<80x128xi32, #tpu.memory_space<hbm>>
      %dma_start3A_125 = arith.constant 0 : i32
      %dma_start3A_126 = tpu.memref_slice %arg4[%add3A_117, %dma_start3A_125] : memref<640000x128xi32, #tpu.memory_space<hbm>> -> memref<80x128xi32, #tpu.memory_space<hbm>>
      %dma_start3A_127 = arith.constant 0 : i32
      %dma_start3A_128 = arith.constant 0 : i32
      %dma_start3A_129 = tpu.memref_slice %arg6[%dma_start3A_118, %dma_start3A_127, %dma_start3A_128] : memref<2x80x128xi32, #tpu.memory_space<vmem>> -> memref<1x80x128xi32, #tpu.memory_space<vmem>>
      %dma_start3A_130 = tpu.memref_squeeze %dma_start3A_129 : memref<1x80x128xi32, #tpu.memory_space<vmem>> -> memref<80x128xi32, #tpu.memory_space<vmem>>
      tpu.enqueue_dma source(%dma_start3A_130 : memref<80x128xi32, #tpu.memory_space<vmem>>) target(%dma_start3A_126 : memref<80x128xi32, #tpu.memory_space<hbm>>) target_semaphore(%arg12 : memref<!tpu.dma_semaphore, #tpu.memory_space<semaphore_mem>>)
      %add3A_131 = arith.constant 2 : i32
      %add3A_132 = arith.addi %add3A_55, %add3A_131 : i32
      %lt3A_133 = arith.constant 250 : i32
      %lt3A_134 = arith.cmpi slt, %add3A_132, %lt3A_133 : i32
      %convert_element_type3A_135 = arith.extui %lt3A_134 : i1 to i32
      %cond3A_136 = arith.constant 0 : i32
      %cond3A_137 = arith.cmpi ne, %convert_element_type3A_135, %cond3A_136 : i32
      scf.if %cond3A_137 {
        %mul3A_138 = arith.constant 80 : i32
        %mul3A_139 = arith.muli %add3A_55, %mul3A_138 : i32
        %add3A_140 = arith.addi %mul3A_2, %mul3A_139 : i32
        %dma_wait3A_141 = arith.constant 0 : i32
        %dma_wait3A_142 = arith.constant 0 : i32
        %dma_wait3A_143 = arith.constant 0 : i32
        %dma_wait3A_144 = tpu.memref_slice %arg6[%dma_wait3A_141, %dma_wait3A_142, %dma_wait3A_143] : memref<2x80x128xi32, #tpu.memory_space<vmem>> -> memref<1x80x128xi32, #tpu.memory_space<vmem>>
        %dma_wait3A_145 = tpu.memref_squeeze %dma_wait3A_144 : memref<1x80x128xi32, #tpu.memory_space<vmem>> -> memref<80x128xi32, #tpu.memory_space<vmem>>
        %dma_wait3A_146 = arith.constant 0 : i32
        %dma_wait3A_147 = tpu.memref_slice %arg4[%add3A_140, %dma_wait3A_146] : memref<640000x128xi32, #tpu.memory_space<hbm>> -> memref<80x128xi32, #tpu.memory_space<hbm>>
        %dma_wait3A_148 = arith.constant 0 : i32
        %dma_wait3A_149 = tpu.memref_slice %arg4[%add3A_140, %dma_wait3A_148] : memref<640000x128xi32, #tpu.memory_space<hbm>> -> memref<80x128xi32, #tpu.memory_space<hbm>>
        %dma_wait3A_150 = arith.constant 0 : i32
        %dma_wait3A_151 = arith.constant 0 : i32
        %dma_wait3A_152 = tpu.memref_slice %arg6[%dma_wait3A_141, %dma_wait3A_150, %dma_wait3A_151] : memref<2x80x128xi32, #tpu.memory_space<vmem>> -> memref<1x80x128xi32, #tpu.memory_space<vmem>>
        %dma_wait3A_153 = tpu.memref_squeeze %dma_wait3A_152 : memref<1x80x128xi32, #tpu.memory_space<vmem>> -> memref<80x128xi32, #tpu.memory_space<vmem>>
        tpu.wait_dma2 semaphore(%arg11 : memref<!tpu.dma_semaphore, #tpu.memory_space<semaphore_mem>>) src(%dma_wait3A_153 : memref<80x128xi32, #tpu.memory_space<vmem>>) dst(%dma_wait3A_149 : memref<80x128xi32, #tpu.memory_space<hbm>>)
        %add3A_154 = arith.constant 2 : i32
        %add3A_155 = arith.addi %add3A_55, %add3A_154 : i32
        %mul3A_156 = arith.constant 80 : i32
        %mul3A_157 = arith.muli %add3A_155, %mul3A_156 : i32
        %dma_start3A_158 = arith.constant 0 : i32
        %dma_start3A_159 = arith.constant 0 : i32
        %dma_start3A_160 = arith.constant 0 : i32
        %dma_start3A_161 = tpu.memref_slice %arg6[%dma_start3A_158, %dma_start3A_159, %dma_start3A_160] : memref<2x80x128xi32, #tpu.memory_space<vmem>> -> memref<1x80x128xi32, #tpu.memory_space<vmem>>
        %dma_start3A_162 = tpu.memref_squeeze %dma_start3A_161 : memref<1x80x128xi32, #tpu.memory_space<vmem>> -> memref<80x128xi32, #tpu.memory_space<vmem>>
        %dma_start3A_163 = tpu.memref_slice %arg5[%mul3A_157] : memref<20000xi32, #tpu.memory_space<vmem>> -> memref<80xi32, #tpu.memory_space<vmem>>
        %dma_start3A_164 = arith.constant 0 : i32
        %dma_start3A_165 = arith.constant 0 : i32
        %dma_start3A_166 = tpu.memref_slice %arg7[%dma_start3A_164, %dma_start3A_165] : memref<10000x128xi32, #tpu.memory_space<vmem_shared>> -> memref<10000x128xi32, #tpu.memory_space<vmem_shared>>
        tpu.enqueue_indirect_dma source(%dma_start3A_166 : memref<10000x128xi32, #tpu.memory_space<vmem_shared>>) target(%dma_start3A_162 : memref<80x128xi32, #tpu.memory_space<vmem>>) offsets(%dma_start3A_163 : memref<80xi32, #tpu.memory_space<vmem>>) semaphore(%arg9 : memref<!tpu.dma_semaphore, #tpu.memory_space<semaphore_mem>>)
      } else {
      }
    }
    %scan3A_20 = arith.constant 125 : i32
    %add3A_21 = arith.constant 19840 : i32
    %add3A_22 = arith.addi %mul3A_2, %add3A_21 : i32
    %dma_wait3A_23 = arith.constant 0 : i32
    %dma_wait3A_24 = arith.constant 0 : i32
    %dma_wait3A_25 = arith.constant 0 : i32
    %dma_wait3A_26 = tpu.memref_slice %arg6[%dma_wait3A_23, %dma_wait3A_24, %dma_wait3A_25] : memref<2x80x128xi32, #tpu.memory_space<vmem>> -> memref<1x80x128xi32, #tpu.memory_space<vmem>>
    %dma_wait3A_27 = tpu.memref_squeeze %dma_wait3A_26 : memref<1x80x128xi32, #tpu.memory_space<vmem>> -> memref<80x128xi32, #tpu.memory_space<vmem>>
    %dma_wait3A_28 = arith.constant 0 : i32
    %dma_wait3A_29 = tpu.memref_slice %arg4[%add3A_22, %dma_wait3A_28] : memref<640000x128xi32, #tpu.memory_space<hbm>> -> memref<80x128xi32, #tpu.memory_space<hbm>>
    %dma_wait3A_30 = arith.constant 0 : i32
    %dma_wait3A_31 = tpu.memref_slice %arg4[%add3A_22, %dma_wait3A_30] : memref<640000x128xi32, #tpu.memory_space<hbm>> -> memref<80x128xi32, #tpu.memory_space<hbm>>
    %dma_wait3A_32 = arith.constant 0 : i32
    %dma_wait3A_33 = arith.constant 0 : i32
    %dma_wait3A_34 = tpu.memref_slice %arg6[%dma_wait3A_23, %dma_wait3A_32, %dma_wait3A_33] : memref<2x80x128xi32, #tpu.memory_space<vmem>> -> memref<1x80x128xi32, #tpu.memory_space<vmem>>
    %dma_wait3A_35 = tpu.memref_squeeze %dma_wait3A_34 : memref<1x80x128xi32, #tpu.memory_space<vmem>> -> memref<80x128xi32, #tpu.memory_space<vmem>>
    tpu.wait_dma2 semaphore(%arg11 : memref<!tpu.dma_semaphore, #tpu.memory_space<semaphore_mem>>) src(%dma_wait3A_35 : memref<80x128xi32, #tpu.memory_space<vmem>>) dst(%dma_wait3A_31 : memref<80x128xi32, #tpu.memory_space<hbm>>)
    %add3A_36 = arith.constant 19920 : i32
    %add3A_37 = arith.addi %mul3A_2, %add3A_36 : i32
    %dma_wait3A_38 = arith.constant 1 : i32
    %dma_wait3A_39 = arith.constant 0 : i32
    %dma_wait3A_40 = arith.constant 0 : i32
    %dma_wait3A_41 = tpu.memref_slice %arg6[%dma_wait3A_38, %dma_wait3A_39, %dma_wait3A_40] : memref<2x80x128xi32, #tpu.memory_space<vmem>> -> memref<1x80x128xi32, #tpu.memory_space<vmem>>
    %dma_wait3A_42 = tpu.memref_squeeze %dma_wait3A_41 : memref<1x80x128xi32, #tpu.memory_space<vmem>> -> memref<80x128xi32, #tpu.memory_space<vmem>>
    %dma_wait3A_43 = arith.constant 0 : i32
    %dma_wait3A_44 = tpu.memref_slice %arg4[%add3A_37, %dma_wait3A_43] : memref<640000x128xi32, #tpu.memory_space<hbm>> -> memref<80x128xi32, #tpu.memory_space<hbm>>
    %dma_wait3A_45 = arith.constant 0 : i32
    %dma_wait3A_46 = tpu.memref_slice %arg4[%add3A_37, %dma_wait3A_45] : memref<640000x128xi32, #tpu.memory_space<hbm>> -> memref<80x128xi32, #tpu.memory_space<hbm>>
    %dma_wait3A_47 = arith.constant 0 : i32
    %dma_wait3A_48 = arith.constant 0 : i32
    %dma_wait3A_49 = tpu.memref_slice %arg6[%dma_wait3A_38, %dma_wait3A_47, %dma_wait3A_48] : memref<2x80x128xi32, #tpu.memory_space<vmem>> -> memref<1x80x128xi32, #tpu.memory_space<vmem>>
    %dma_wait3A_50 = tpu.memref_squeeze %dma_wait3A_49 : memref<1x80x128xi32, #tpu.memory_space<vmem>> -> memref<80x128xi32, #tpu.memory_space<vmem>>
    tpu.wait_dma2 semaphore(%arg12 : memref<!tpu.dma_semaphore, #tpu.memory_space<semaphore_mem>>) src(%dma_wait3A_50 : memref<80x128xi32, #tpu.memory_space<vmem>>) dst(%dma_wait3A_46 : memref<80x128xi32, #tpu.memory_space<hbm>>)
    return
  }
}

module attributes {stable_mosaic.version = 14 : i64} {
  func.func @_table_kernel(%arg0: i32, %arg1: memref<1000x128xf32, #tpu.memory_space<vmem>>, %arg2: memref<2x128x128xf32, #tpu.memory_space<vmem>>, %arg3: memref<1x128xf32, #tpu.memory_space<vmem>>, %arg4: memref<1000x128xi32, #tpu.memory_space<vmem>>) attributes {dimension_semantics = [#tpu.dimension_semantics<arbitrary>], iteration_bounds = array<i64: 10>, scalar_prefetch = 0 : i64, scratch_operands = 0 : i64, tpu.core_type = #tpu.core_type<tc>, window_params = [{transform_indices = @transform_0, window_bounds = array<i64: 1000, 128>}, {pipeline_mode = #tpu.pipeline_mode<synchronous>, transform_indices = @transform_1, window_bounds = array<i64: 2, 128, 128>}, {pipeline_mode = #tpu.pipeline_mode<synchronous>, transform_indices = @transform_2, window_bounds = array<i64: 1, 128>}, {transform_indices = @transform_3, window_bounds = array<i64: 1000, 128>}]} {
    %get3A = arith.constant 0 : index
    %get3A_0 = arith.constant 0 : index
    %get3A_1 = vector.load %arg1[%get3A, %get3A_0] : memref<1000x128xf32, #tpu.memory_space<vmem>>, vector<1000x128xf32>
    %get3A_2 = arith.constant 0 : index
    %get3A_3 = arith.constant 0 : index
    %get3A_4 = arith.constant 0 : index
    %get3A_5 = vector.load %arg2[%get3A_2, %get3A_3, %get3A_4] : memref<2x128x128xf32, #tpu.memory_space<vmem>>, vector<1x128x128xf32>
    %get3A_6 = vector.shape_cast %get3A_5 : vector<1x128x128xf32> to vector<128x128xf32>
    %dot_general3A = arith.constant dense<0.000000e+00> : vector<1000x128xf32>
    %dot_general3A_7 = tpu.matmul %get3A_1, %get3A_6, %dot_general3A {dimension_numbers = #tpu.dot_dimension_numbers<[1], [0], [0], [1], [0, 0, 1, 1], [], []>, transpose_lhs_hint = false} : vector<1000x128xf32>, vector<128x128xf32>, vector<1000x128xf32> -> vector<1000x128xf32>
    %get3A_8 = arith.constant 0 : index
    %get3A_9 = arith.constant 0 : index
    %get3A_10 = vector.load %arg3[%get3A_8, %get3A_9] : memref<1x128xf32, #tpu.memory_space<vmem>>, vector<1x128xf32>
    %get3A_11 = vector.shape_cast %get3A_10 : vector<1x128xf32> to vector<128xf32>
    %broadcast_in_dim3A = vector.shape_cast %get3A_11 : vector<128xf32> to vector<1x128xf32>
    %add3A = vector.broadcast %broadcast_in_dim3A : vector<1x128xf32> to vector<1000x128xf32>
    %add3A_12 = arith.addf %dot_general3A_7, %add3A : vector<1000x128xf32>
    %get3A_13 = arith.constant 1 : index
    %get3A_14 = arith.constant 0 : index
    %get3A_15 = arith.constant 0 : index
    %get3A_16 = vector.load %arg2[%get3A_13, %get3A_14, %get3A_15] : memref<2x128x128xf32, #tpu.memory_space<vmem>>, vector<1x128x128xf32>
    %get3A_17 = vector.shape_cast %get3A_16 : vector<1x128x128xf32> to vector<128x128xf32>
    %dot_general3A_18 = arith.constant dense<0.000000e+00> : vector<1000x128xf32>
    %dot_general3A_19 = tpu.matmul %get3A_1, %get3A_17, %dot_general3A_18 {dimension_numbers = #tpu.dot_dimension_numbers<[1], [0], [0], [1], [0, 0, 1, 1], [], []>, transpose_lhs_hint = false} : vector<1000x128xf32>, vector<128x128xf32>, vector<1000x128xf32> -> vector<1000x128xf32>
    %slice3A = vector.extract_strided_slice %add3A_12 {offsets = [0, 0], sizes = [1000, 64], strides = [1, 1]} : vector<1000x128xf32> to vector<1000x64xf32>
    %bitcast_convert_type3A = tpu.bitcast %slice3A : vector<1000x64xf32> -> vector<1000x64xi32>
    %slice3A_20 = vector.extract_strided_slice %add3A_12 {offsets = [0, 64], sizes = [1000, 64], strides = [1, 1]} : vector<1000x128xf32> to vector<1000x64xf32>
    %bitcast_convert_type3A_21 = tpu.bitcast %slice3A_20 : vector<1000x64xf32> -> vector<1000x64xi32>
    %add3A_22 = arith.constant 32767 : i32
    %add3A_23 = vector.broadcast %add3A_22 : i32 to vector<1000x64xi32>
    %add3A_24 = arith.addi %bitcast_convert_type3A, %add3A_23 : vector<1000x64xi32>
    %shift_right_logical3A = arith.constant 16 : i32
    %shift_right_logical3A_25 = vector.broadcast %shift_right_logical3A : i32 to vector<1000x64xi32>
    %shift_right_logical3A_26 = arith.shrui %bitcast_convert_type3A, %shift_right_logical3A_25 : vector<1000x64xi32>
    %and3A = arith.constant 1 : i32
    %and3A_27 = vector.broadcast %and3A : i32 to vector<1000x64xi32>
    %and3A_28 = arith.andi %shift_right_logical3A_26, %and3A_27 : vector<1000x64xi32>
    %add3A_29 = arith.addi %add3A_24, %and3A_28 : vector<1000x64xi32>
    %and3A_30 = arith.constant -65536 : i32
    %and3A_31 = vector.broadcast %and3A_30 : i32 to vector<1000x64xi32>
    %and3A_32 = arith.andi %add3A_29, %and3A_31 : vector<1000x64xi32>
    %shift_right_logical3A_33 = arith.constant 16 : i32
    %shift_right_logical3A_34 = vector.broadcast %shift_right_logical3A_33 : i32 to vector<1000x64xi32>
    %shift_right_logical3A_35 = arith.shrui %and3A_32, %shift_right_logical3A_34 : vector<1000x64xi32>
    %add3A_36 = arith.constant 32767 : i32
    %add3A_37 = vector.broadcast %add3A_36 : i32 to vector<1000x64xi32>
    %add3A_38 = arith.addi %bitcast_convert_type3A_21, %add3A_37 : vector<1000x64xi32>
    %shift_right_logical3A_39 = arith.constant 16 : i32
    %shift_right_logical3A_40 = vector.broadcast %shift_right_logical3A_39 : i32 to vector<1000x64xi32>
    %shift_right_logical3A_41 = arith.shrui %bitcast_convert_type3A_21, %shift_right_logical3A_40 : vector<1000x64xi32>
    %and3A_42 = arith.constant 1 : i32
    %and3A_43 = vector.broadcast %and3A_42 : i32 to vector<1000x64xi32>
    %and3A_44 = arith.andi %shift_right_logical3A_41, %and3A_43 : vector<1000x64xi32>
    %add3A_45 = arith.addi %add3A_38, %and3A_44 : vector<1000x64xi32>
    %and3A_46 = arith.constant -65536 : i32
    %and3A_47 = vector.broadcast %and3A_46 : i32 to vector<1000x64xi32>
    %and3A_48 = arith.andi %add3A_45, %and3A_47 : vector<1000x64xi32>
    %or3A = arith.ori %shift_right_logical3A_35, %and3A_48 : vector<1000x64xi32>
    %slice3A_49 = vector.extract_strided_slice %dot_general3A_19 {offsets = [0, 0], sizes = [1000, 64], strides = [1, 1]} : vector<1000x128xf32> to vector<1000x64xf32>
    %bitcast_convert_type3A_50 = tpu.bitcast %slice3A_49 : vector<1000x64xf32> -> vector<1000x64xi32>
    %slice3A_51 = vector.extract_strided_slice %dot_general3A_19 {offsets = [0, 64], sizes = [1000, 64], strides = [1, 1]} : vector<1000x128xf32> to vector<1000x64xf32>
    %bitcast_convert_type3A_52 = tpu.bitcast %slice3A_51 : vector<1000x64xf32> -> vector<1000x64xi32>
    %add3A_53 = arith.constant 32767 : i32
    %add3A_54 = vector.broadcast %add3A_53 : i32 to vector<1000x64xi32>
    %add3A_55 = arith.addi %bitcast_convert_type3A_50, %add3A_54 : vector<1000x64xi32>
    %shift_right_logical3A_56 = arith.constant 16 : i32
    %shift_right_logical3A_57 = vector.broadcast %shift_right_logical3A_56 : i32 to vector<1000x64xi32>
    %shift_right_logical3A_58 = arith.shrui %bitcast_convert_type3A_50, %shift_right_logical3A_57 : vector<1000x64xi32>
    %and3A_59 = arith.constant 1 : i32
    %and3A_60 = vector.broadcast %and3A_59 : i32 to vector<1000x64xi32>
    %and3A_61 = arith.andi %shift_right_logical3A_58, %and3A_60 : vector<1000x64xi32>
    %add3A_62 = arith.addi %add3A_55, %and3A_61 : vector<1000x64xi32>
    %and3A_63 = arith.constant -65536 : i32
    %and3A_64 = vector.broadcast %and3A_63 : i32 to vector<1000x64xi32>
    %and3A_65 = arith.andi %add3A_62, %and3A_64 : vector<1000x64xi32>
    %shift_right_logical3A_66 = arith.constant 16 : i32
    %shift_right_logical3A_67 = vector.broadcast %shift_right_logical3A_66 : i32 to vector<1000x64xi32>
    %shift_right_logical3A_68 = arith.shrui %and3A_65, %shift_right_logical3A_67 : vector<1000x64xi32>
    %add3A_69 = arith.constant 32767 : i32
    %add3A_70 = vector.broadcast %add3A_69 : i32 to vector<1000x64xi32>
    %add3A_71 = arith.addi %bitcast_convert_type3A_52, %add3A_70 : vector<1000x64xi32>
    %shift_right_logical3A_72 = arith.constant 16 : i32
    %shift_right_logical3A_73 = vector.broadcast %shift_right_logical3A_72 : i32 to vector<1000x64xi32>
    %shift_right_logical3A_74 = arith.shrui %bitcast_convert_type3A_52, %shift_right_logical3A_73 : vector<1000x64xi32>
    %and3A_75 = arith.constant 1 : i32
    %and3A_76 = vector.broadcast %and3A_75 : i32 to vector<1000x64xi32>
    %and3A_77 = arith.andi %shift_right_logical3A_74, %and3A_76 : vector<1000x64xi32>
    %add3A_78 = arith.addi %add3A_71, %and3A_77 : vector<1000x64xi32>
    %and3A_79 = arith.constant -65536 : i32
    %and3A_80 = vector.broadcast %and3A_79 : i32 to vector<1000x64xi32>
    %and3A_81 = arith.andi %add3A_78, %and3A_80 : vector<1000x64xi32>
    %or3A_82 = arith.ori %shift_right_logical3A_68, %and3A_81 : vector<1000x64xi32>
    %concatenate3A = tpu.concatenate %or3A, %or3A_82 in 1 : vector<1000x64xi32>, vector<1000x64xi32> -> vector<1000x128xi32>
    %swap3A = arith.constant 0 : index
    %swap3A_83 = arith.constant 0 : index
    %swap3A_84 = vector.load %arg4[%swap3A, %swap3A_83] : memref<1000x128xi32, #tpu.memory_space<vmem>>, vector<1000x128xi32>
    tpu.vector_store %arg4[%swap3A, %swap3A_83], %concatenate3A {strides = array<i32>} : memref<1000x128xi32, #tpu.memory_space<vmem>>, vector<1000x128xi32>,
    return
  }
  func.func @transform_0(%arg0: i32) -> (i32, i32) {
    %c0_i32 = arith.constant 0 : i32
    %c0_i32_0 = arith.constant 0 : i32
    return %arg0, %c0_i32 : i32, i32
  }
  func.func @transform_1(%arg0: i32) -> (i32, i32, i32) {
    %c0_i32 = arith.constant 0 : i32
    %c0_i32_0 = arith.constant 0 : i32
    %c0_i32_1 = arith.constant 0 : i32
    %c0_i32_2 = arith.constant 0 : i32
    return %c0_i32, %c0_i32_0, %c0_i32_1 : i32, i32, i32
  }
  func.func @transform_2(%arg0: i32) -> (i32, i32) {
    %c0_i32 = arith.constant 0 : i32
    %c0_i32_0 = arith.constant 0 : i32
    %c0_i32_1 = arith.constant 0 : i32
    return %c0_i32, %c0_i32_0 : i32, i32
  }
  func.func @transform_3(%arg0: i32) -> (i32, i32) {
    %c0_i32 = arith.constant 0 : i32
    %c0_i32_0 = arith.constant 0 : i32
    return %arg0, %c0_i32 : i32, i32
  }
}

module attributes {stable_mosaic.version = 14 : i64} {
  func.func @_mlp_kernel(%arg0: i32, %arg1: memref<1x8000x128xi32, #tpu.memory_space<vmem>>, %arg2: memref<1x8000x128xi32, #tpu.memory_space<vmem>>, %arg3: memref<128x128xf32, #tpu.memory_space<vmem>>, %arg4: memref<1x128xf32, #tpu.memory_space<vmem>>, %arg5: memref<8000x128xf32, #tpu.memory_space<vmem>>) attributes {dimension_semantics = [#tpu.dimension_semantics<arbitrary>], iteration_bounds = array<i64: 40>, scalar_prefetch = 0 : i64, scratch_operands = 0 : i64, tpu.core_type = #tpu.core_type<tc>, window_params = [{transform_indices = @transform_0, window_bounds = array<i64: 1, 8000, 128>}, {transform_indices = @transform_1, window_bounds = array<i64: 1, 8000, 128>}, {pipeline_mode = #tpu.pipeline_mode<synchronous>, transform_indices = @transform_2, window_bounds = array<i64: 128, 128>}, {pipeline_mode = #tpu.pipeline_mode<synchronous>, transform_indices = @transform_3, window_bounds = array<i64: 1, 128>}, {transform_indices = @transform_4, window_bounds = array<i64: 8000, 128>}]} {
    %get3A = arith.constant 0 : index
    %get3A_0 = arith.constant 0 : index
    %get3A_1 = arith.constant 0 : index
    %get3A_2 = vector.load %arg1[%get3A, %get3A_0, %get3A_1] : memref<1x8000x128xi32, #tpu.memory_space<vmem>>, vector<1x8000x128xi32>
    %get3A_3 = vector.shape_cast %get3A_2 : vector<1x8000x128xi32> to vector<8000x128xi32>
    %slice3A = vector.extract_strided_slice %get3A_3 {offsets = [0, 0], sizes = [8000, 64], strides = [1, 1]} : vector<8000x128xi32> to vector<8000x64xi32>
    %shift_left3A = arith.constant 16 : i32
    %shift_left3A_4 = vector.broadcast %shift_left3A : i32 to vector<8000x64xi32>
    %shift_left3A_5 = arith.shli %slice3A, %shift_left3A_4 : vector<8000x64xi32>
    %bitcast_convert_type3A = tpu.bitcast %shift_left3A_5 : vector<8000x64xi32> -> vector<8000x64xf32>
    %and3A = arith.constant -65536 : i32
    %and3A_6 = vector.broadcast %and3A : i32 to vector<8000x64xi32>
    %and3A_7 = arith.andi %slice3A, %and3A_6 : vector<8000x64xi32>
    %bitcast_convert_type3A_8 = tpu.bitcast %and3A_7 : vector<8000x64xi32> -> vector<8000x64xf32>
    %get3A_9 = arith.constant 0 : index
    %get3A_10 = arith.constant 0 : index
    %get3A_11 = arith.constant 0 : index
    %get3A_12 = vector.load %arg2[%get3A_9, %get3A_10, %get3A_11] : memref<1x8000x128xi32, #tpu.memory_space<vmem>>, vector<1x8000x128xi32>
    %get3A_13 = vector.shape_cast %get3A_12 : vector<1x8000x128xi32> to vector<8000x128xi32>
    %slice3A_14 = vector.extract_strided_slice %get3A_13 {offsets = [0, 64], sizes = [8000, 64], strides = [1, 1]} : vector<8000x128xi32> to vector<8000x64xi32>
    %shift_left3A_15 = arith.constant 16 : i32
    %shift_left3A_16 = vector.broadcast %shift_left3A_15 : i32 to vector<8000x64xi32>
    %shift_left3A_17 = arith.shli %slice3A_14, %shift_left3A_16 : vector<8000x64xi32>
    %bitcast_convert_type3A_18 = tpu.bitcast %shift_left3A_17 : vector<8000x64xi32> -> vector<8000x64xf32>
    %and3A_19 = arith.constant -65536 : i32
    %and3A_20 = vector.broadcast %and3A_19 : i32 to vector<8000x64xi32>
    %and3A_21 = arith.andi %slice3A_14, %and3A_20 : vector<8000x64xi32>
    %bitcast_convert_type3A_22 = tpu.bitcast %and3A_21 : vector<8000x64xi32> -> vector<8000x64xf32>
    %add3A = arith.addf %bitcast_convert_type3A, %bitcast_convert_type3A_18 : vector<8000x64xf32>
    %add3A_23 = arith.addf %bitcast_convert_type3A_8, %bitcast_convert_type3A_22 : vector<8000x64xf32>
    %concatenate3A = tpu.concatenate %add3A, %add3A_23 in 1 : vector<8000x64xf32>, vector<8000x64xf32> -> vector<8000x128xf32>
    %max3A = arith.constant 0.000000e+00 : f32
    %max3A_24 = vector.broadcast %max3A : f32 to vector<8000x128xf32>
    %max3A_25 = arith.maximumf %concatenate3A, %max3A_24 : vector<8000x128xf32>
    %convert_element_type3A = arith.truncf %max3A_25 : vector<8000x128xf32> to vector<8000x128xbf16>
    %get3A_26 = arith.constant 0 : index
    %get3A_27 = arith.constant 0 : index
    %get3A_28 = vector.load %arg3[%get3A_26, %get3A_27] : memref<128x128xf32, #tpu.memory_space<vmem>>, vector<128x128xf32>
    %convert_element_type3A_29 = arith.truncf %get3A_28 : vector<128x128xf32> to vector<128x128xbf16>
    %dot_general3A = arith.constant dense<0.000000e+00> : vector<8000x128xf32>
    %dot_general3A_30 = tpu.matmul %convert_element_type3A, %convert_element_type3A_29, %dot_general3A {dimension_numbers = #tpu.dot_dimension_numbers<[1], [0], [0], [1], [0, 0, 1, 1], [], []>, transpose_lhs_hint = false} : vector<8000x128xbf16>, vector<128x128xbf16>, vector<8000x128xf32> -> vector<8000x128xf32>
    %get3A_31 = arith.constant 0 : index
    %get3A_32 = arith.constant 0 : index
    %get3A_33 = vector.load %arg4[%get3A_31, %get3A_32] : memref<1x128xf32, #tpu.memory_space<vmem>>, vector<1x128xf32>
    %add3A_34 = vector.broadcast %get3A_33 : vector<1x128xf32> to vector<8000x128xf32>
    %add3A_35 = arith.addf %dot_general3A_30, %add3A_34 : vector<8000x128xf32>
    %swap3A = arith.constant 0 : index
    %swap3A_36 = arith.constant 0 : index
    %swap3A_37 = vector.load %arg5[%swap3A, %swap3A_36] : memref<8000x128xf32, #tpu.memory_space<vmem>>, vector<8000x128xf32>
    tpu.vector_store %arg5[%swap3A, %swap3A_36], %add3A_35 {strides = array<i32>} : memref<8000x128xf32, #tpu.memory_space<vmem>>, vector<8000x128xf32>,
    return
  }
  func.func @transform_0(%arg0: i32) -> (i32, i32, i32) {
    %c0_i32 = arith.constant 0 : i32
    %c0_i32_0 = arith.constant 0 : i32
    %c0_i32_1 = arith.constant 0 : i32
    return %c0_i32, %arg0, %c0_i32_0 : i32, i32, i32
  }
  func.func @transform_1(%arg0: i32) -> (i32, i32, i32) {
    %c1_i32 = arith.constant 1 : i32
    %c0_i32 = arith.constant 0 : i32
    %c0_i32_0 = arith.constant 0 : i32
    return %c1_i32, %arg0, %c0_i32 : i32, i32, i32
  }
  func.func @transform_2(%arg0: i32) -> (i32, i32) {
    %c0_i32 = arith.constant 0 : i32
    %c0_i32_0 = arith.constant 0 : i32
    %c0_i32_1 = arith.constant 0 : i32
    return %c0_i32, %c0_i32_0 : i32, i32
  }
  func.func @transform_3(%arg0: i32) -> (i32, i32) {
    %c0_i32 = arith.constant 0 : i32
    %c0_i32_0 = arith.constant 0 : i32
    %c0_i32_1 = arith.constant 0 : i32
    return %c0_i32, %c0_i32_0 : i32, i32
  }
  func.func @transform_4(%arg0: i32) -> (i32, i32) {
    %add3A = arith.constant 0 : i32
    %add3A_0 = arith.addi %arg0, %add3A : i32
    %c0_i32 = arith.constant 0 : i32
    %c0_i32_1 = arith.constant 0 : i32
    return %add3A_0, %c0_i32 : i32, i32
  }
}

</mosaic_0001>

<sc_bundles>
// kernel: kernel.5.cloned.1.call-start
scs
__scs_entry_jumppad:
0x0: {  	(pc) =	sbr.rel $0x88, $3  }
0x1: {  	(tag) =	ssettag $0x0;
	lr =	simm.s32 $0x1  }
0x2: {  	[smem:$0x3F9B] =	sst lr;
	_ =	strace $0xD0000000  }
0x3: {  	_ = 	snop  }
0x4: {  	_ = 	snop  }
0x5: {  	_ = 	snop  }
0x6: {  	_ = 	snop  }
0x7: {  	_ = 	snop  }
__scs_overlays_trampoline_lowered:
0x8: {  	[smem:$0x3FAA] =	sst s0  }
0x9: {  	[smem:$0x3FAB] =	sst s1  }
0xa: {  	[smem:$0x3FAC] =	sst s2  }
0xb: {  	[smem:$0x3FAD] =	sst s3  }
0xc: {  	[smem:$0x3FAE] =	sst s4  }
0xd: {  	[smem:$0x3FAF] =	sst s5  }
0xe: {  	[smem:$0x3FB0] =	sst s6  }
0xf: {  	[smem:$0x3FB1] =	sst s7  }
0x10: {  	[smem:$0x3FB2] =	sst s8  }
0x11: {  	[smem:$0x3FB3] =	sst s9;
	s0 =	simm.s32 @!p0 $0x0  }
0x12: {  	s1 =	sld [smem:$0x3F99];
	s0 =	simm.s32 @p0 $0x1  }
0x13: {  	[smem:$0x3FB4] =	sst s0;
	s0 =	simm.s32 @!p1 $0x0  }
0x14: {  	s2 =	sld [smem:$0x3F98];
	s0 =	simm.s32 @p1 $0x1  }
0x15: {  	[smem:$0x3FB5] =	sst s0;
	s0 =	simm.s32 @!p2 $0x0  }
0x16: {  	s3 =	sld [smem:$0x3FDB];
	s0 =	simm.s32 @p2 $0x1  }
0x17: {  	s4 =	simm.s32 $0x1BF5;
	[smem:$0x3FB7] =	sst s0  }
0x18: {  	s0 =	sld [smem:$0x3F9A];
	_ =	swait.ge [sflag:s4], $0x0  }
0x19: {  	s7 =	sld [smem:$0x3F9B]  }
0x1a: {  	s8 =	sadd.s32 $0xFFFFE003, lr  }
0x1b: {  	s9 =	sadd.s32 $0xFFFFFEF7, lr;
	s5 =	simm.s32 $0xFFFFFFFF;
	p2 =	slt.u32 s8, $0xFFFFF086  }
0x1c: {  	p1 =	slt.u32 s9, $0xF7A;
	s5 =	simm.s32 @!p2 $0x0  }
0x1d: {  	s5 =	simm.s32 @p1 $0x1;
	p0 =	seq.s32 s7, s2  }
0x1e: {  	s7 =	smul.u32 @!p0 $0xF7A, s2;
	p2 =	seq.s32 @!p0 s5, $0x0  }
0x1f: {  	s9 =	smul.u32 $0xF7A, s1;
	s8 =	simm.s32 @!p0 $0x1BF5;
	p2 =	por !p2, p0  }
0x20: {  	[sflag:s8] =	ssyncset.s32 @!p0 $0xFFFFF086;
	s6 =	sadd.s32 @!p0 s3, s7;
	s7 =	simm.s32 @!p0 $0x108  }
0x21: {  	s3 =	sadd.s32 s3, s9;
	s6 =	sadd.s32 @!p0 $0x88, s6;
	s7 =	simm.s32 @p2 $0x1082  }
0x22: {  	[simem:s7], [sflag:s8] =	dma.local @!p0 [hbm:s6], $0xF7A  }
0x23: {  	s9 =	sor.u32 $0xD0000000, s2;
	s6 =	simm.s32 $0x108;
	_ =	swait.ge @!p0 [sflag:s8], $0x0  }
0x24: {  	s3 =	sadd.s32 $0x88, s3;
	s6 =	simm.s32 @!p1 $0x1082;
	[sflag:s4] =	ssyncset.s32 $0xFFFFF086  }
0x25: {  	[simem:s6], [sflag:s4] =	dma.local [hbm:s3], $0xF7A  }
0x26: {  	[smem:$0x3F9B] =	sst s1;
	(tag) =	ssettag s2;
	_ =	strace s9  }
0x27: {  	s1 =	sld [smem:$0x3FAB]  }
0x28: {  	s2 =	sld [smem:$0x3FAC]  }
0x29: {  	s4 =	sld [smem:$0x3FAE]  }
0x2a: {  	p0 =	seq.s32 s5, $0x0;
	s5 =	sld [smem:$0x3FAF]  }
0x2b: {  	s6 =	sld [smem:$0x3FB0]  }
0x2c: {  	s7 =	sld [smem:$0x3FB1]  }
0x2d: {  	s3 =	simm.s32 $0x108;
	s8 =	sld [smem:$0x3FB2]  }
0x2e: {  	s3 =	simm.s32 @!p0 $0x1082;
	s9 =	sld [smem:$0x3FB3]  }
0x2f: {  	lr =	sadd.s32 s0, s3;
	s0 =	sld [smem:$0x3FAA]  }
0x30: {  	s3 =	sld [smem:$0x3FAD]  }
0x31: {  	[smem:$0x3FB6] =	sst s10  }
0x32: {  	s10 =	sld [smem:$0x3FB4];
	_ =	sdelay $0x3  }
0x33: {  	p0 =	seq.s32 s10, $0x1;
	s10 =	sld [smem:$0x3FB6];
	_ =	sdelay $0x3  }
0x34: {  	[smem:$0x3FB6] =	sst s10  }
0x35: {  	s10 =	sld [smem:$0x3FB5];
	_ =	sdelay $0x3  }
0x36: {  	p1 =	seq.s32 s10, $0x1;
	s10 =	sld [smem:$0x3FB6];
	_ =	sdelay $0x3  }
0x37: {  	[smem:$0x3FB6] =	sst s10  }
0x38: {  	s10 =	sld [smem:$0x3FB7]  }
0x39: {  	_ = 	snop;
	(pc) =	sbr.ind lr, $3  }
0x3a: {  	_ = 	snop  }
0x3b: {  	_ = 	snop  }
0x3c: {  	p2 =	seq.s32 s10, $0x1;
	s10 =	sld [smem:$0x3FB6]  }
0x3d: {  	_ =	shalt  }
0x3e: {  	_ =	shalt  }
0x3f: {  	_ =	shalt  }
0x40: {  	_ =	shalt  }
0x41: {  	_ =	shalt  }
0x42: {  	_ =	shalt  }
0x43: {  	_ =	shalt  }
0x44: {  	_ =	shalt  }
0x45: {  	_ =	shalt  }
0x46: {  	_ =	shalt  }
0x47: {  	_ =	shalt  }
0x48: {  	_ =	shalt  }
0x49: {  	_ =	shalt  }
0x4a: {  	_ =	shalt  }
0x4b: {  	_ =	shalt  }
0x4c: {  	_ =	shalt  }
0x4d: {  	_ =	shalt  }
0x4e: {  	_ =	shalt  }
0x4f: {  	_ =	shalt  }
0x50: {  	_ =	shalt  }
0x51: {  	_ =	shalt  }
0x52: {  	_ =	shalt  }
0x53: {  	_ =	shalt  }
0x54: {  	_ =	shalt  }
0x55: {  	_ =	shalt  }
0x56: {  	_ =	shalt  }
0x57: {  	_ =	shalt  }
0x58: {  	_ =	shalt  }
0x59: {  	_ =	shalt  }
0x5a: {  	_ =	shalt  }
0x5b: {  	_ =	shalt  }
0x5c: {  	_ =	shalt  }
0x5d: {  	_ =	shalt  }
0x5e: {  	_ =	shalt  }
0x5f: {  	_ =	shalt  }
0x60: {  	_ =	shalt  }
0x61: {  	_ =	shalt  }
0x62: {  	_ =	shalt  }
0x63: {  	_ =	shalt  }
0x64: {  	_ =	shalt  }
0x65: {  	_ =	shalt  }
0x66: {  	_ =	shalt  }
0x67: {  	_ =	shalt  }
0x68: {  	_ =	shalt  }
0x69: {  	_ =	shalt  }
0x6a: {  	_ =	shalt  }
0x6b: {  	_ =	shalt  }
0x6c: {  	_ =	shalt  }
0x6d: {  	_ =	shalt  }
0x6e: {  	_ =	shalt  }
0x6f: {  	_ =	shalt  }
0x70: {  	_ =	shalt  }
0x71: {  	_ =	shalt  }
0x72: {  	_ =	shalt  }
0x73: {  	_ =	shalt  }
0x74: {  	_ =	shalt  }
0x75: {  	_ =	shalt  }
0x76: {  	_ =	shalt  }
0x77: {  	_ =	shalt  }
0x78: {  	_ =	shalt  }
0x79: {  	_ =	shalt  }
0x7a: {  	_ =	shalt  }
0x7b: {  	_ =	shalt  }
0x7c: {  	_ =	shalt  }
0x7d: {  	_ =	shalt  }
0x7e: {  	_ =	shalt  }
0x7f: {  	_ =	shalt  }
0x80: {  	_ =	shalt  }
0x81: {  	_ =	shalt  }
0x82: {  	_ =	shalt  }
0x83: {  	_ =	shalt  }
0x84: {  	_ =	shalt  }
0x85: {  	_ =	shalt  }
0x86: {  	_ =	shalt  }
0x87: {  	_ =	shalt  }
.Lfunc_end0:
.L_simem_size_0:
called_computation_lowered:
.L_overlay_start_0:
0x88: {  	s2 =	sld [smem:$0x3FD9]  }
0x89: {  	s3 =	sld [smem:$0x3FFE];
	_ =	sdelay $0x1  }
0x8a: {  	s1 =	srdreg.scid  }
0x8b: {  	s0 =	sand.u32 $0x1, s1  }
0x8c: {  	s17 =	sshll.u32 s0, $0xA;
	s2 =	sadd.s32 s3, s2  }
0x8d: {  	s2 =	sadd.s32 s2, s17  }
0x8e: {  	[smem:$0x3FC2] =	sst s2  }
0x8f: {  	_ = 	snop  }
0x90: {  	s2 =	sld [smem:$0x3FD0];
	(tm) =	ssettm $0x1  }
0x91: {  	s18 =	sld [smem:$0x3FFB];
	_ =	sdelay $0x3  }
0x92: {  	_ =	strace s18  }
0x93: {  	s3 =	sld [smem:$0x3FFC];
	_ =	sdelay $0x3  }
0x94: {  	_ =	strace s3  }
0x95: {  	s3 =	sld [smem:$0x3FFD];
	_ =	sdelay $0x3  }
0x96: {  	_ =	strace s3  }
0x97: {  	_ =	strace $0x8FFFFFFF  }
0x98: {  	s19 =	sld [smem:$0x3FDB];
	_ =	sdelay $0x1  }
0x99: {  	s4 =	simm.s32 $_scs_section_size  }
0x9a: {  	s5 =	simm.s32 $_size__tile_overlayer_lowered;
	s6 =	simm.s32 $_tile_overlayer_lowered  }
0x9b: {  	s22 =	simm.s32 $0x1BFF;
	s21 =	sshll.u32 s6, $0x1;
	s3 =	sadd.s32 s4, s19  }
0x9c: {  	s7 =	simm.s32 $0x0;
	s20 =	sshll.u32 s5, $0x1;
	s5 =	sadd.s32 s21, s3  }
0x9d: {  	[timem:s7], [sflag:s22] =	dma.local [hbm:s5], s20  }
0x9e: {  	_ =	swait.ge [sflag:s22], s20  }
0x9f: {  	s4 =	ssub.s32 $0x0, s20;
	[sflag:s22] =	ssyncset.done $0x0  }
0xa0: {  	[sflag:s22] =	ssyncadd.s32 s4;
	_ =	sdelay $0x1  }
0xa1: {  	s23 =	simm.s32 $0x1B8B  }
0xa2: {  	_ =	swait.ge [sflag:s23], $0x1  }
0xa3: {  	[sflag:s23] =	ssyncset.done $0x0  }
0xa4: {  	s25 =	simm.s32 $0x1B8E;
	s24 =	sld [smem:$0x3FFE];
	[sflag:s23] =	ssyncadd.s32 $0xFFFFFFFF  }
0xa5: {  	s26 =	simm.s32 $execute0_lowered;
	[smem:$0x3FD2] =	sst s25  }
0xa6: {  	s5 =	sshll.u32 s26, $0x1;
	_ =	strace $0x80000046;
	[dreg:$0x1] =	wrdreg $0xFFFFFFFF  }
0xa7: {  	s28 =	simm.s32 $_size_execute0_lowered;
	s3 =	sadd.s32 s3, s5;
	[dreg:$0x0] =	wrdreg $0x0  }
0xa8: {  	s5 =	sshll.u32 s28, $0x1;
	[dreg:$0x2] =	wrdreg s3  }
0xa9: {  	[dreg:$0x3] =	wrdreg s5  }
0xaa: {  	[dreg:$0x4] =	wrdreg $0xC0  }
0xab: {  	_ =	task [dreg:s7], $0x5FFFF  }
0xac: {  	[dreg:$0x1] =	wrdreg $0xFFFFFFFF  }
0xad: {  	[dreg:$0x0] =	wrdreg $0x60  }
0xae: {  	[dreg:$0x2] =	wrdreg s2  }
0xaf: {  	[dreg:$0x3] =	wrdreg s24  }
0xb0: {  	[dreg:$0x4] =	wrdreg $0x9E800  }
0xb1: {  	[dreg:$0x5] =	wrdreg $0x9  }
0xb2: {  	_ =	task.clear_ibuf [dreg:s7], $0x6FFFF;
	_ =	strace $0x90000046  }
0xb3: {  	s29 =	simm.s32 $0x9;
	_ =	strace $0x80000048  }
0xb4: {  	_ =	swait.ge [sflag:s29], $0x1  }
0xb5: {  	[sflag:s29] =	ssyncadd.s32 $0xFFFFFFFF  }
0xb6: {  	_ =	strace $0x90000048  }
0xb7: {  	_ =	sfence  }
0xb8: {  	s30 =	sld [smem:$0x0];
	_ =	sdelay $0x2  }
0xb9: {  	s31 =	sshll.u32 s1, $0xD;
	s1 =	sshrl.u32 s1, $0x2  }
0xba: {  	s3 =	sand.u32 $0x4000, s31;
	s1 =	sadd.s32 s1, s30  }
0xbb: {  	s0 =	sor.u32 s3, s0;
	s1 =	sshll.u32 s1, $0x11  }
0xbc: {  	s0 =	sor.u32 s1, s0  }
0xbd: {  	s0 =	sadd.s32 $0x8F2B, s0  }
0xbe: {  	[sflag:s0] =	ssyncadd.remote.s32 $0x1  }
0xbf: {  	_ =	sfence.sel $0xFFFF  }
0xc0: {  	[dreg:$0x0] =	wrdreg $0xFFFFFFFF;
	(pc) =	sbr.abs _section_cstart, $3  }
0xc1: {  	[dreg:$0x1] =	wrdreg $0xFFFFFFFF  }
0xc2: {  	_ =	task.clear_ibuf [dreg:s7], $0x2FFFF;
	_ =	strace $0x9FFFFFFF  }
0xc3: {  	(tm) =	ssettm $0x7FFFFFFF  }
tec
execute0_lowered:
.L_overlay_start_1:
0x0: {  	(tag) =	ssettag $0x1  }
0x1: {  	s4 =	rddreg [dreg:$0x0];
	s1 =	srdreg.scid  }
0x2: {  	s0 =	stileid.u32;
	s5 =	rddreg [dreg:$0x1]  }
0x3: {  	s2 =	rddreg [dreg:$0x2];
	s3 =	simm.s32 $0x0;
	s14 =	simm.s32 $0x4E80  }
0x4: {  	s15 =	simm.s32 $0x2;
	s16 =	simm.s32 $0x7680;
	s17 =	simm.s32 $0x3  }
0x5: {  	s18 =	simm.s32 $0x4;
	s19 =	simm.s32 $0xA0;
	s20 =	simm.s32 $0x5  }
0x6: {  	s21 =	simm.s32 $0x0;
	s6 =	sand.u32 $0x1, s1;
	s9 =	smul.u32 $0x7D000, s0  }
0x7: {  	s25 =	sshll.u32 s0, $0x1;
	s1 =	rddreg [dreg:$0x3];
	s11 =	smul.u32 $0x3E80, s0  }
0x8: {  	[smem:$0x7FF] =	sst s3;
	s12 =	sadd.s32 $0x14A00, s5;
	s29 =	smul.u32 $0x9C400, s0  }
0x9: {  	p0 =	sgt.u32 s0, $0x9;
	s7 =	sor.u32 s6, s25;
	s30 =	smul.u32 $0x4E200, s6  }
0xa: {  	_ =	strace $0x80000047;
	s10 =	ssub.s32 $0x2, s6;
	s8 =	smul.u32 $0x4E20, s7  }
0xb: {  	s26 =	sshrl.u32 s10, $0x1;
	s7 =	smul.u32 $0x4E200, s7;
	s28 =	sshrl.u32 s9, $0x2  }
0xc: {  	s4 =	sadd.s32 s4, s11;
	s31 =	sadd.s32 s29, s12;
	s10 =	ssub.s32 s10, s26  }
.Ltmp0:
0xd: {  	s13 =	sadd.s32 s28, s2;
	s9 =	sadd.s32 s30, s31;
	(pc) =	sbr.rel .LBB2_1-.Ltmp0, $4  }
0xe: {  	s8 =	sshrl.u32 s8, $0x3;
	s6 =	smax.u32 s10, $0x1;
	s7 =	sadd.s32 s12, s7  }
0xf: {  	s9 =	sadd.s32 $0xF00, s9;
	s10 =	sshll.u32 @!p0 s0, $0x6;
	s11 =	sshrl.u32 @!p0 s13, $0x3  }
0x10: {  	s12 =	simm.s32 $0x1;
	s13 =	simm.s32 $0x50;
	s8 =	sadd.s32 s8, s5  }
0x11: {  	s10 =	sor.u32 @!p0 $0x1C06, s10;
	s5 =	sadd.s32 $0x1000, s8;
	s8 =	sadd.s32 $0x500, s7  }
.LBB2_4:
0x12: {  	s21 =	sadd.s32 $0x1, s21  }
0x13: {  	p1 =	sne.s32 s21, s6  }
.Ltmp1:
0x14: {  	_ = 	snop;
	(pc) =	sbr.rel @!p1 .LBB2_5-.Ltmp1, $4  }
0x15: {  	_ = 	snop  }
0x16: {  	_ =	swait.ge [sflag:s20], $0x2800  }
0x17: {  	[sflag:s20] =	ssyncset.done $0x0  }
0x18: {  	[sflag:s20] =	ssyncadd.s32 $0xFFFFD800  }
.LBB2_1:
0x19: {  	[spmem:s11], [sflag:s10] =	dma.local @!p0 [hbm:s4], $0x3E80  }
0x1a: {  	s22 =	simm.s32 @!p0 $0x6  }
0x1b: {  	_ =	swait.ge @!p0 [sflag:s22], $0x3E80  }
0x1c: {  	[sflag:s22] =	ssyncset.done @!p0 $0x0  }
0x1d: {  	[sflag:s22] =	ssyncadd.s32 @!p0 $0xFFFFC180  }
0x1e: {  	[bflag:$0x0] =	sbarrier.arrive $0xFFFF  }
0x1f: {  	[tilespmem:s3], [sflag:$0x1] =	stream.linear.gather [hbm4b:s5+s3], $0x4E20, $0x38;
	[tilespmem:$0x1D700] =	vst v63  }
0x20: {  	_ =	swait.ge [sflag:s12], $0x4E20  }
0x21: {  	[sflag:s12] =	ssyncset.done $0x0  }
0x22: {  	[sflag:s12] =	ssyncadd.s32 $0xFFFFB1E0  }
0x23: {  	[tilespmem:s14], [sflag:$0x2] =	stream.indirect.gather [spmem:s2], $0x80, s3, s13, $0xb8;
	[tilespmem:$0x1D700] =	vst v63  }
0x24: {  	_ =	swait.ge [sflag:s15], $0x2800  }
0x25: {  	[sflag:s15] =	ssyncset.done $0x0  }
0x26: {  	[sflag:s15] =	ssyncadd.s32 $0xFFFFD800  }
0x27: {  	[hbm4b:s7+s3] =	stream.linear.scatter [tilespmem:s14], [sflag:$0x4], $0x2800, $0x38;
	[tilespmem:$0x1D700] =	vst v63  }
0x28: {  	_ = 	snop  }
0x29: {  	[tilespmem:s16], [sflag:$0x3] =	stream.indirect.gather [spmem:s2], $0x80, s13, s13, $0xb8;
	[tilespmem:$0x1D700] =	vst v63  }
0x2a: {  	_ =	swait.ge [sflag:s17], $0x2800  }
0x2b: {  	[sflag:s17] =	ssyncset.done $0x0  }
0x2c: {  	[sflag:s17] =	ssyncadd.s32 $0xFFFFD800  }
0x2d: {  	[hbm4b:s8+s3] =	stream.linear.scatter [tilespmem:s16], [sflag:$0x5], $0x2800, $0x38;
	[tilespmem:$0x1D700] =	vst v63  }
0x2e: {  	_ =	swait.ge [sflag:s18], $0x2800  }
0x2f: {  	[sflag:s18] =	ssyncset.done $0x0  }
0x30: {  	s23 =	simm.s32 $0x0;
	s22 =	smov.u32 s9;
	[sflag:s18] =	ssyncadd.s32 $0xFFFFD800  }
0x31: {  	[tilespmem:s14], [sflag:$0x2] =	stream.indirect.gather [spmem:s2], $0x80, s19, s13, $0xb8;
	[tilespmem:$0x1D700] =	vst v63  }
.LBB2_2:
0x32: {  	_ =	swait.ge [sflag:s15], $0x2800  }
0x33: {  	[sflag:s15] =	ssyncset.done $0x0  }
0x34: {  	s24 =	sadd.s32 $0xFFFFFB00, s22;
	[sflag:s15] =	ssyncadd.s32 $0xFFFFD800  }
0x35: {  	[hbm4b:s24+s3] =	stream.linear.scatter [tilespmem:s14], [sflag:$0x4], $0x2800, $0x38;
	[tilespmem:$0x1D700] =	vst v63  }
0x36: {  	_ =	swait.ge [sflag:s20], $0x2800  }
0x37: {  	s24 =	sshra.s32 s23, $0x2;
	[sflag:s20] =	ssyncset.done $0x0  }
0x38: {  	s25 =	sadd.s32 $0xF0, s24;
	[sflag:s20] =	ssyncadd.s32 $0xFFFFD800  }
0x39: {  	[tilespmem:s16], [sflag:$0x3] =	stream.indirect.gather [spmem:s2], $0x80, s25, s13, $0xb8;
	[tilespmem:$0x1D700] =	vst v63  }
0x3a: {  	_ =	swait.ge [sflag:s17], $0x2800  }
0x3b: {  	p1 =	seq.s32 s23, $0x13380;
	[sflag:s17] =	ssyncset.done $0x0  }
.Ltmp2:
0x3c: {  	[sflag:s17] =	ssyncadd.s32 $0xFFFFD800;
	(pc) =	sbr.rel @p1 .LBB2_4-.Ltmp2, $4  }
0x3d: {  	[hbm4b:s22+s3] =	stream.linear.scatter [tilespmem:s16], [sflag:$0x5], $0x2800, $0x38;
	[tilespmem:$0x1D700] =	vst v63  }
0x3e: {  	_ =	swait.ge [sflag:s18], $0x2800  }
0x3f: {  	[sflag:s18] =	ssyncset.done $0x0  }
0x40: {  	[sflag:s18] =	ssyncadd.s32 $0xFFFFD800  }
.Ltmp3:
0x41: {  	(pc) =	sbr.rel .LBB2_2-.Ltmp3, $3  }
0x42: {  	_ =	sdelay $0x1  }
0x43: {  	s24 =	sadd.s32 $0x140, s24;
	s23 =	sadd.s32 $0x280, s23;
	s22 =	sadd.s32 $0xA00, s22  }
0x44: {  	[tilespmem:s14], [sflag:$0x2] =	stream.indirect.gather [spmem:s2], $0x80, s24, s13, $0xb8;
	[tilespmem:$0x1D700] =	vst v63  }
.LBB2_5:
0x45: {  	_ =	sfence.sel $0x180000  }
0x46: {  	[bflag:$0x0] =	sbarrier.arrive $0xFFFF  }
0x47: {  	p0 =	sne.s32 s0, $0x0;
	_ =	strace $0x90000047  }
0x48: {  	s0 =	sadd.s32 @!p0 $0x100000, s1;
	[bflag:$0x2] =	sbarrier.arrive $0xFFFF  }
0x49: {  	[sflag:s0] =	ssyncadd.tile.s32 @!p0 $0x1;
	_ =	shalt  }
.Lfunc_end2:
_tile_overlayer_lowered:
.L_overlay_start_2:
0x4a: {  	(tag) =	ssettag $0x2  }
0x4b: {  	s0 =	rddreg [dreg:$0x0];
	s2 =	stileid.u32  }
0x4c: {  	s1 =	rddreg [dreg:$0x1];
	p0 =	sne.s32 s2, $0x0  }
0x4d: {  	s3 =	rddreg [dreg:$0x2];
	[bflag:$0x3] =	sbarrier.arrive $0xFFFF;
	s2 =	simm.s32 @!p0 $0x1C06  }
0x4e: {  	[timem:s3], [sflag:s2] =	dma.local @!p0 [hbm:s0], s1  }
0x4f: {  	s0 =	simm.s32 @!p0 $0x6  }
0x50: {  	_ =	swait.ge @!p0 [sflag:s0], s1  }
0x51: {  	s1 =	ssub.s32 @!p0 $0x0, s1;
	[sflag:s0] =	ssyncset.done @!p0 $0x0  }
0x52: {  	[sflag:s0] =	ssyncadd.s32 @!p0 s1  }
0x53: {  	[bflag:$0x3] =	sbarrier.arrive $0xFFFF  }
0x54: {  	_ =	shalt  }

</sc_bundles>
